<compile_context>
chip_gen: v7x
topology: tpu7x:2x2x1
jax: 0.10.2.dev20260603
libtpu: 0.0.44.dev20260713+nightly
codegen_flags: <defaults>
</compile_context>

<pallas_src>
import jax
import jax.numpy as jnp
from jax import lax
from jax.experimental import pallas as pl
from jax.experimental.pallas import tpu as pltpu
from jax.experimental.pallas import tpu_sc as plsc

_B = 4
_D = 256
_H = 32
_W = 32
_L = 16


def _pos_body(row_hbm, col_hbm, out_hbm, idx, buf, sem):
    cid = lax.axis_index("c")
    sid = lax.axis_index("s")
    y = cid * (_H // 2) + sid
    yv = jnp.full((_L,), y, jnp.int32)
    idx[pl.ds(0, _L)] = yv
    idx[pl.ds(_L, _L)] = yv

    cp_col = pltpu.async_copy(
        col_hbm.at[pl.ds(0, _W)], buf.at[:, pl.ds(0, _D)], sem
    )
    cp_row = pltpu.async_copy(
        row_hbm.at[idx], buf.at[:, pl.ds(_D, _D)], sem
    )
    cp_col.wait()
    cp_row.wait()

    copies = [
        pltpu.async_copy(buf, out_hbm.at[b, y], sem) for b in range(_B)
    ]
    for cp in copies:
        cp.wait()


def kernel(img, mask, row_embed, col_embed):
    del img, mask
    mesh = plsc.VectorSubcoreMesh(core_axis_name="c", subcore_axis_name="s")
    fn = pl.kernel(
        _pos_body,
        mesh=mesh,
        out_type=jax.ShapeDtypeStruct((_B, _H, _W, 2 * _D), jnp.float32),
        scratch_types=[
            pltpu.VMEM((_W,), jnp.int32),
            pltpu.VMEM((_W, 2 * _D), jnp.float32),
            pltpu.SemaphoreType.DMA,
        ],
        compiler_params=pltpu.CompilerParams(
            use_tc_tiling_on_sc=True, skip_device_barrier=True
        ),
    )
    out_t = fn(row_embed, col_embed)
    return jnp.transpose(out_t, (0, 3, 1, 2))

# --- scband reference (transcript-rebuilt; emitter-appended) ---
"""Pipeline reference for scband-position-embedding-learned-21251498181130 (READ-ONLY COPY).

The authoritative reference and input builder live on the scoring server;
editing this copy changes nothing except your own understanding.
"""

import jax, jax.numpy as jnp
import numpy as np

NUM_POS_FEATS = 256

def setup_inputs(seed: int = 0) -> dict:
    key = jax.random.key(seed)
    k1, k2, k3 = jax.random.split(key, 3)
    img = jax.random.normal(k1, (4, 768, 32, 32), dtype=jnp.float32)
    mask = jnp.zeros((4, 32, 32), dtype=bool)
    # nn.init.uniform_ -> U[0,1)
    row_embed = jax.random.uniform(k2, (50, NUM_POS_FEATS), dtype=jnp.float32)
    col_embed = jax.random.uniform(k3, (50, NUM_POS_FEATS), dtype=jnp.float32)
    return {"img": img, "mask": mask, "row_embed": row_embed, "col_embed": col_embed}

def reference(img, mask, row_embed, col_embed):
    h, w = img.shape[-2], img.shape[-1]
    i = jnp.arange(w)
    j = jnp.arange(h)
    x_emb = jnp.take(col_embed, i, axis=0)  # [w, d]
    y_emb = jnp.take(row_embed, j, axis=0)  # [h, d]
    d = x_emb.shape[-1]
    x_part = jnp.broadcast_to(x_emb[None, :, :], (h, w, d))
    y_part = jnp.broadcast_to(y_emb[:, None, :], (h, w, d))
    pos = jnp.concatenate([x_part, y_part], axis=-1)  # [h, w, 2d]
    pos = jnp.transpose(pos, (2, 0, 1))[None, :, :, :]  # [1, 2d, h, w]
    pos = jnp.broadcast_to(pos, (img.shape[0], 2 * d, h, w))
    return pos

if __name__ == "__main__":
    import jax
    _d = setup_inputs()
    print(jax.jit(kernel)(*tuple(_d.values())))

</pallas_src>

<mosaic_0001>
#map = affine_map<(d0, d1) -> (0, 0)>
#map1 = affine_map<(d0, d1) -> (0, 0, 0, 0)>
module attributes {stable_mosaic.version = 14 : i64} {
  func.func @_pos_body(%arg0: i32, %arg1: i32, %arg2: memref<50x256xf32, #tpu.memory_space<hbm>>, %arg3: memref<50x256xf32, #tpu.memory_space<hbm>>, %arg4: memref<4x32x32x512xf32, #tpu.memory_space<hbm>>, %arg5: memref<32xi32, #tpu.memory_space<vmem>>, %arg6: memref<32x512xf32, #tpu.memory_space<vmem>>, %arg7: memref<!tpu.dma_semaphore, #tpu.memory_space<semaphore_mem>>) attributes {dimension_semantics = [#tpu.dimension_semantics<core_parallel>, #tpu.dimension_semantics<subcore_parallel>], iteration_bounds = array<i64: 2, 16>, scalar_prefetch = 0 : i64, scratch_operands = 3 : i64, tpu.core_type = #tpu.core_type<sc_vector_subcore>, window_params = [{transform_indices = #map}, {transform_indices = #map}, {transform_indices = #map1}]} {
    %mul3A = arith.constant 16 : i32
    %mul3A_0 = arith.muli %arg0, %mul3A : i32
    %add3A = arith.addi %mul3A_0, %arg1 : i32
    %broadcast_in_dim3A = vector.broadcast %add3A : i32 to vector<16xi32>
    %swap3A = arith.constant 0 : index
    %swap3A_1 = tpu.vector_load %arg5[%swap3A] {strides = array<i32>} : memref<32xi32, #tpu.memory_space<vmem>>, vector<16xi32>,
    %swap3A_2 = vector.shape_cast %swap3A_1 : vector<16xi32> to vector<16xi32>
    %swap3A_3 = vector.shape_cast %broadcast_in_dim3A : vector<16xi32> to vector<16xi32>
    tpu.vector_store %arg5[%swap3A], %swap3A_3 {strides = array<i32>} : memref<32xi32, #tpu.memory_space<vmem>>, vector<16xi32>,
    %swap3A_4 = arith.constant 16 : index
    %swap3A_5 = tpu.vector_load %arg5[%swap3A_4] {strides = array<i32>} : memref<32xi32, #tpu.memory_space<vmem>>, vector<16xi32>,
    %swap3A_6 = vector.shape_cast %swap3A_5 : vector<16xi32> to vector<16xi32>
    %swap3A_7 = vector.shape_cast %broadcast_in_dim3A : vector<16xi32> to vector<16xi32>
    tpu.vector_store %arg5[%swap3A_4], %swap3A_7 {strides = array<i32>} : memref<32xi32, #tpu.memory_space<vmem>>, vector<16xi32>,
    %dma_start3A = arith.constant 0 : i32
    %dma_start3A_8 = arith.constant 0 : i32
    %dma_start3A_9 = tpu.memref_slice %arg6[%dma_start3A, %dma_start3A_8] : memref<32x512xf32, #tpu.memory_space<vmem>> -> memref<32x256xf32, #tpu.memory_space<vmem>>
    %dma_start3A_10 = arith.constant 0 : i32
    %dma_start3A_11 = arith.constant 0 : i32
    %dma_start3A_12 = tpu.memref_slice %arg3[%dma_start3A_10, %dma_start3A_11] : memref<50x256xf32, #tpu.memory_space<hbm>> -> memref<32x256xf32, #tpu.memory_space<hbm>>
    %dma_start3A_13 = arith.constant 0 : i32
    %dma_start3A_14 = arith.constant 0 : i32
    %dma_start3A_15 = tpu.memref_slice %arg6[%dma_start3A_13, %dma_start3A_14] : memref<32x512xf32, #tpu.memory_space<vmem>> -> memref<32x256xf32, #tpu.memory_space<vmem>>
    %dma_start3A_16 = arith.constant 0 : i32
    %dma_start3A_17 = arith.constant 0 : i32
    %dma_start3A_18 = tpu.memref_slice %arg3[%dma_start3A_16, %dma_start3A_17] : memref<50x256xf32, #tpu.memory_space<hbm>> -> memref<32x256xf32, #tpu.memory_space<hbm>>
    tpu.enqueue_dma source(%dma_start3A_18 : memref<32x256xf32, #tpu.memory_space<hbm>>) target(%dma_start3A_15 : memref<32x256xf32, #tpu.memory_space<vmem>>) target_semaphore(%arg7 : memref<!tpu.dma_semaphore, #tpu.memory_space<semaphore_mem>>)
    %dma_start3A_19 = arith.constant 0 : i32
    %dma_start3A_20 = arith.constant 256 : i32
    %dma_start3A_21 = tpu.memref_slice %arg6[%dma_start3A_19, %dma_start3A_20] : memref<32x512xf32, #tpu.memory_space<vmem>> -> memref<32x256xf32, #tpu.memory_space<vmem>>
    %dma_start3A_22 = arith.constant 0 : i32
    %dma_start3A_23 = arith.constant 0 : i32
    %dma_start3A_24 = tpu.memref_slice %arg2[%dma_start3A_22, %dma_start3A_23] : memref<50x256xf32, #tpu.memory_space<hbm>> -> memref<50x256xf32, #tpu.memory_space<hbm>>
    tpu.enqueue_indirect_dma source(%dma_start3A_24 : memref<50x256xf32, #tpu.memory_space<hbm>>) target(%dma_start3A_21 : memref<32x256xf32, #tpu.memory_space<vmem>>) offsets(%arg5 : memref<32xi32, #tpu.memory_space<vmem>>) semaphore(%arg7 : memref<!tpu.dma_semaphore, #tpu.memory_space<semaphore_mem>>)
    %dma_wait3A = arith.constant 0 : i32
    %dma_wait3A_25 = arith.constant 0 : i32
    %dma_wait3A_26 = tpu.memref_slice %arg6[%dma_wait3A, %dma_wait3A_25] : memref<32x512xf32, #tpu.memory_space<vmem>> -> memref<32x256xf32, #tpu.memory_space<vmem>>
    %dma_wait3A_27 = arith.constant 0 : i32
    %dma_wait3A_28 = arith.constant 0 : i32
    %dma_wait3A_29 = tpu.memref_slice %arg3[%dma_wait3A_27, %dma_wait3A_28] : memref<50x256xf32, #tpu.memory_space<hbm>> -> memref<32x256xf32, #tpu.memory_space<hbm>>
    %dma_wait3A_30 = arith.constant 0 : i32
    %dma_wait3A_31 = arith.constant 0 : i32
    %dma_wait3A_32 = tpu.memref_slice %arg6[%dma_wait3A_30, %dma_wait3A_31] : memref<32x512xf32, #tpu.memory_space<vmem>> -> memref<32x256xf32, #tpu.memory_space<vmem>>
    %dma_wait3A_33 = arith.constant 0 : i32
    %dma_wait3A_34 = arith.constant 0 : i32
    %dma_wait3A_35 = tpu.memref_slice %arg3[%dma_wait3A_33, %dma_wait3A_34] : memref<50x256xf32, #tpu.memory_space<hbm>> -> memref<32x256xf32, #tpu.memory_space<hbm>>
    tpu.wait_dma2 semaphore(%arg7 : memref<!tpu.dma_semaphore, #tpu.memory_space<semaphore_mem>>) src(%dma_wait3A_35 : memref<32x256xf32, #tpu.memory_space<hbm>>) dst(%dma_wait3A_32 : memref<32x256xf32, #tpu.memory_space<vmem>>)
    %dma_wait3A_36 = arith.constant 0 : i32
    %dma_wait3A_37 = arith.constant 256 : i32
    %dma_wait3A_38 = tpu.memref_slice %arg6[%dma_wait3A_36, %dma_wait3A_37] : memref<32x512xf32, #tpu.memory_space<vmem>> -> memref<32x256xf32, #tpu.memory_space<vmem>>
    %dma_wait3A_39 = arith.constant 0 : i32
    %dma_wait3A_40 = arith.constant 0 : i32
    %dma_wait3A_41 = tpu.memref_slice %arg2[%dma_wait3A_39, %dma_wait3A_40] : memref<50x256xf32, #tpu.memory_space<hbm>> -> memref<50x256xf32, #tpu.memory_space<hbm>>
    tpu.wait_indirect_dma semaphore(%arg7 : memref<!tpu.dma_semaphore, #tpu.memory_space<semaphore_mem>>) src(%dma_wait3A_41 : memref<50x256xf32, #tpu.memory_space<hbm>>) dst(%dma_wait3A_38 : memref<32x256xf32, #tpu.memory_space<vmem>>)
    %dma_start3A_42 = arith.constant 0 : i32
    %dma_start3A_43 = arith.constant 0 : i32
    %dma_start3A_44 = arith.constant 0 : i32
    %dma_start3A_45 = tpu.memref_slice %arg4[%dma_start3A_42, %add3A, %dma_start3A_43, %dma_start3A_44] : memref<4x32x32x512xf32, #tpu.memory_space<hbm>> -> memref<1x1x32x512xf32, #tpu.memory_space<hbm>>
    %dma_start3A_46 = tpu.memref_squeeze %dma_start3A_45 : memref<1x1x32x512xf32, #tpu.memory_space<hbm>> -> memref<32x512xf32, #tpu.memory_space<hbm>>
    %dma_start3A_47 = arith.constant 0 : i32
    %dma_start3A_48 = arith.constant 0 : i32
    %dma_start3A_49 = tpu.memref_slice %arg4[%dma_start3A_42, %add3A, %dma_start3A_47, %dma_start3A_48] : memref<4x32x32x512xf32, #tpu.memory_space<hbm>> -> memref<1x1x32x512xf32, #tpu.memory_space<hbm>>
    %dma_start3A_50 = tpu.memref_squeeze %dma_start3A_49 : memref<1x1x32x512xf32, #tpu.memory_space<hbm>> -> memref<32x512xf32, #tpu.memory_space<hbm>>
    tpu.enqueue_dma source(%arg6 : memref<32x512xf32, #tpu.memory_space<vmem>>) target(%dma_start3A_50 : memref<32x512xf32, #tpu.memory_space<hbm>>) target_semaphore(%arg7 : memref<!tpu.dma_semaphore, #tpu.memory_space<semaphore_mem>>)
    %dma_start3A_51 = arith.constant 1 : i32
    %dma_start3A_52 = arith.constant 0 : i32
    %dma_start3A_53 = arith.constant 0 : i32
    %dma_start3A_54 = tpu.memref_slice %arg4[%dma_start3A_51, %add3A, %dma_start3A_52, %dma_start3A_53] : memref<4x32x32x512xf32, #tpu.memory_space<hbm>> -> memref<1x1x32x512xf32, #tpu.memory_space<hbm>>
    %dma_start3A_55 = tpu.memref_squeeze %dma_start3A_54 : memref<1x1x32x512xf32, #tpu.memory_space<hbm>> -> memref<32x512xf32, #tpu.memory_space<hbm>>
    %dma_start3A_56 = arith.constant 0 : i32
    %dma_start3A_57 = arith.constant 0 : i32
    %dma_start3A_58 = tpu.memref_slice %arg4[%dma_start3A_51, %add3A, %dma_start3A_56, %dma_start3A_57] : memref<4x32x32x512xf32, #tpu.memory_space<hbm>> -> memref<1x1x32x512xf32, #tpu.memory_space<hbm>>
    %dma_start3A_59 = tpu.memref_squeeze %dma_start3A_58 : memref<1x1x32x512xf32, #tpu.memory_space<hbm>> -> memref<32x512xf32, #tpu.memory_space<hbm>>
    tpu.enqueue_dma source(%arg6 : memref<32x512xf32, #tpu.memory_space<vmem>>) target(%dma_start3A_59 : memref<32x512xf32, #tpu.memory_space<hbm>>) target_semaphore(%arg7 : memref<!tpu.dma_semaphore, #tpu.memory_space<semaphore_mem>>)
    %dma_start3A_60 = arith.constant 2 : i32
    %dma_start3A_61 = arith.constant 0 : i32
    %dma_start3A_62 = arith.constant 0 : i32
    %dma_start3A_63 = tpu.memref_slice %arg4[%dma_start3A_60, %add3A, %dma_start3A_61, %dma_start3A_62] : memref<4x32x32x512xf32, #tpu.memory_space<hbm>> -> memref<1x1x32x512xf32, #tpu.memory_space<hbm>>
    %dma_start3A_64 = tpu.memref_squeeze %dma_start3A_63 : memref<1x1x32x512xf32, #tpu.memory_space<hbm>> -> memref<32x512xf32, #tpu.memory_space<hbm>>
    %dma_start3A_65 = arith.constant 0 : i32
    %dma_start3A_66 = arith.constant 0 : i32
    %dma_start3A_67 = tpu.memref_slice %arg4[%dma_start3A_60, %add3A, %dma_start3A_65, %dma_start3A_66] : memref<4x32x32x512xf32, #tpu.memory_space<hbm>> -> memref<1x1x32x512xf32, #tpu.memory_space<hbm>>
    %dma_start3A_68 = tpu.memref_squeeze %dma_start3A_67 : memref<1x1x32x512xf32, #tpu.memory_space<hbm>> -> memref<32x512xf32, #tpu.memory_space<hbm>>
    tpu.enqueue_dma source(%arg6 : memref<32x512xf32, #tpu.memory_space<vmem>>) target(%dma_start3A_68 : memref<32x512xf32, #tpu.memory_space<hbm>>) target_semaphore(%arg7 : memref<!tpu.dma_semaphore, #tpu.memory_space<semaphore_mem>>)
    %dma_start3A_69 = arith.constant 3 : i32
    %dma_start3A_70 = arith.constant 0 : i32
    %dma_start3A_71 = arith.constant 0 : i32
    %dma_start3A_72 = tpu.memref_slice %arg4[%dma_start3A_69, %add3A, %dma_start3A_70, %dma_start3A_71] : memref<4x32x32x512xf32, #tpu.memory_space<hbm>> -> memref<1x1x32x512xf32, #tpu.memory_space<hbm>>
    %dma_start3A_73 = tpu.memref_squeeze %dma_start3A_72 : memref<1x1x32x512xf32, #tpu.memory_space<hbm>> -> memref<32x512xf32, #tpu.memory_space<hbm>>
    %dma_start3A_74 = arith.constant 0 : i32
    %dma_start3A_75 = arith.constant 0 : i32
    %dma_start3A_76 = tpu.memref_slice %arg4[%dma_start3A_69, %add3A, %dma_start3A_74, %dma_start3A_75] : memref<4x32x32x512xf32, #tpu.memory_space<hbm>> -> memref<1x1x32x512xf32, #tpu.memory_space<hbm>>
    %dma_start3A_77 = tpu.memref_squeeze %dma_start3A_76 : memref<1x1x32x512xf32, #tpu.memory_space<hbm>> -> memref<32x512xf32, #tpu.memory_space<hbm>>
    tpu.enqueue_dma source(%arg6 : memref<32x512xf32, #tpu.memory_space<vmem>>) target(%dma_start3A_77 : memref<32x512xf32, #tpu.memory_space<hbm>>) target_semaphore(%arg7 : memref<!tpu.dma_semaphore, #tpu.memory_space<semaphore_mem>>)
    %dma_wait3A_78 = arith.constant 0 : i32
    %dma_wait3A_79 = arith.constant 0 : i32
    %dma_wait3A_80 = arith.constant 0 : i32
    %dma_wait3A_81 = tpu.memref_slice %arg4[%dma_wait3A_78, %add3A, %dma_wait3A_79, %dma_wait3A_80] : memref<4x32x32x512xf32, #tpu.memory_space<hbm>> -> memref<1x1x32x512xf32, #tpu.memory_space<hbm>>
    %dma_wait3A_82 = tpu.memref_squeeze %dma_wait3A_81 : memref<1x1x32x512xf32, #tpu.memory_space<hbm>> -> memref<32x512xf32, #tpu.memory_space<hbm>>
    %dma_wait3A_83 = arith.constant 0 : i32
    %dma_wait3A_84 = arith.constant 0 : i32
    %dma_wait3A_85 = tpu.memref_slice %arg4[%dma_wait3A_78, %add3A, %dma_wait3A_83, %dma_wait3A_84] : memref<4x32x32x512xf32, #tpu.memory_space<hbm>> -> memref<1x1x32x512xf32, #tpu.memory_space<hbm>>
    %dma_wait3A_86 = tpu.memref_squeeze %dma_wait3A_85 : memref<1x1x32x512xf32, #tpu.memory_space<hbm>> -> memref<32x512xf32, #tpu.memory_space<hbm>>
    tpu.wait_dma2 semaphore(%arg7 : memref<!tpu.dma_semaphore, #tpu.memory_space<semaphore_mem>>) src(%arg6 : memref<32x512xf32, #tpu.memory_space<vmem>>) dst(%dma_wait3A_86 : memref<32x512xf32, #tpu.memory_space<hbm>>)
    %dma_wait3A_87 = arith.constant 1 : i32
    %dma_wait3A_88 = arith.constant 0 : i32
    %dma_wait3A_89 = arith.constant 0 : i32
    %dma_wait3A_90 = tpu.memref_slice %arg4[%dma_wait3A_87, %add3A, %dma_wait3A_88, %dma_wait3A_89] : memref<4x32x32x512xf32, #tpu.memory_space<hbm>> -> memref<1x1x32x512xf32, #tpu.memory_space<hbm>>
    %dma_wait3A_91 = tpu.memref_squeeze %dma_wait3A_90 : memref<1x1x32x512xf32, #tpu.memory_space<hbm>> -> memref<32x512xf32, #tpu.memory_space<hbm>>
    %dma_wait3A_92 = arith.constant 0 : i32
    %dma_wait3A_93 = arith.constant 0 : i32
    %dma_wait3A_94 = tpu.memref_slice %arg4[%dma_wait3A_87, %add3A, %dma_wait3A_92, %dma_wait3A_93] : memref<4x32x32x512xf32, #tpu.memory_space<hbm>> -> memref<1x1x32x512xf32, #tpu.memory_space<hbm>>
    %dma_wait3A_95 = tpu.memref_squeeze %dma_wait3A_94 : memref<1x1x32x512xf32, #tpu.memory_space<hbm>> -> memref<32x512xf32, #tpu.memory_space<hbm>>
    tpu.wait_dma2 semaphore(%arg7 : memref<!tpu.dma_semaphore, #tpu.memory_space<semaphore_mem>>) src(%arg6 : memref<32x512xf32, #tpu.memory_space<vmem>>) dst(%dma_wait3A_95 : memref<32x512xf32, #tpu.memory_space<hbm>>)
    %dma_wait3A_96 = arith.constant 2 : i32
    %dma_wait3A_97 = arith.constant 0 : i32
    %dma_wait3A_98 = arith.constant 0 : i32
    %dma_wait3A_99 = tpu.memref_slice %arg4[%dma_wait3A_96, %add3A, %dma_wait3A_97, %dma_wait3A_98] : memref<4x32x32x512xf32, #tpu.memory_space<hbm>> -> memref<1x1x32x512xf32, #tpu.memory_space<hbm>>
    %dma_wait3A_100 = tpu.memref_squeeze %dma_wait3A_99 : memref<1x1x32x512xf32, #tpu.memory_space<hbm>> -> memref<32x512xf32, #tpu.memory_space<hbm>>
    %dma_wait3A_101 = arith.constant 0 : i32
    %dma_wait3A_102 = arith.constant 0 : i32
    %dma_wait3A_103 = tpu.memref_slice %arg4[%dma_wait3A_96, %add3A, %dma_wait3A_101, %dma_wait3A_102] : memref<4x32x32x512xf32, #tpu.memory_space<hbm>> -> memref<1x1x32x512xf32, #tpu.memory_space<hbm>>
    %dma_wait3A_104 = tpu.memref_squeeze %dma_wait3A_103 : memref<1x1x32x512xf32, #tpu.memory_space<hbm>> -> memref<32x512xf32, #tpu.memory_space<hbm>>
    tpu.wait_dma2 semaphore(%arg7 : memref<!tpu.dma_semaphore, #tpu.memory_space<semaphore_mem>>) src(%arg6 : memref<32x512xf32, #tpu.memory_space<vmem>>) dst(%dma_wait3A_104 : memref<32x512xf32, #tpu.memory_space<hbm>>)
    %dma_wait3A_105 = arith.constant 3 : i32
    %dma_wait3A_106 = arith.constant 0 : i32
    %dma_wait3A_107 = arith.constant 0 : i32
    %dma_wait3A_108 = tpu.memref_slice %arg4[%dma_wait3A_105, %add3A, %dma_wait3A_106, %dma_wait3A_107] : memref<4x32x32x512xf32, #tpu.memory_space<hbm>> -> memref<1x1x32x512xf32, #tpu.memory_space<hbm>>
    %dma_wait3A_109 = tpu.memref_squeeze %dma_wait3A_108 : memref<1x1x32x512xf32, #tpu.memory_space<hbm>> -> memref<32x512xf32, #tpu.memory_space<hbm>>
    %dma_wait3A_110 = arith.constant 0 : i32
    %dma_wait3A_111 = arith.constant 0 : i32
    %dma_wait3A_112 = tpu.memref_slice %arg4[%dma_wait3A_105, %add3A, %dma_wait3A_110, %dma_wait3A_111] : memref<4x32x32x512xf32, #tpu.memory_space<hbm>> -> memref<1x1x32x512xf32, #tpu.memory_space<hbm>>
    %dma_wait3A_113 = tpu.memref_squeeze %dma_wait3A_112 : memref<1x1x32x512xf32, #tpu.memory_space<hbm>> -> memref<32x512xf32, #tpu.memory_space<hbm>>
    tpu.wait_dma2 semaphore(%arg7 : memref<!tpu.dma_semaphore, #tpu.memory_space<semaphore_mem>>) src(%arg6 : memref<32x512xf32, #tpu.memory_space<vmem>>) dst(%dma_wait3A_113 : memref<32x512xf32, #tpu.memory_space<hbm>>)
    return
  }
}

</mosaic_0001>

<sc_bundles>
// kernel: kernel.3.cloned.1.call-start
scs
__scs_entry_jumppad:
0x0: {  	(pc) =	sbr.rel $0x88, $3  }
0x1: {  	(tag) =	ssettag $0x0;
	lr =	simm.s32 $0x1  }
0x2: {  	[smem:$0x3F9F] =	sst lr;
	_ =	strace $0xD0000000  }
0x3: {  	_ = 	snop  }
0x4: {  	_ = 	snop  }
0x5: {  	_ = 	snop  }
0x6: {  	_ = 	snop  }
0x7: {  	_ = 	snop  }
__scs_overlays_trampoline_lowered:
0x8: {  	[smem:$0x3FAE] =	sst s0  }
0x9: {  	[smem:$0x3FAF] =	sst s1  }
0xa: {  	[smem:$0x3FB0] =	sst s2  }
0xb: {  	[smem:$0x3FB1] =	sst s3  }
0xc: {  	[smem:$0x3FB2] =	sst s4  }
0xd: {  	[smem:$0x3FB3] =	sst s5  }
0xe: {  	[smem:$0x3FB4] =	sst s6  }
0xf: {  	[smem:$0x3FB5] =	sst s7  }
0x10: {  	[smem:$0x3FB6] =	sst s8  }
0x11: {  	[smem:$0x3FB7] =	sst s9;
	s0 =	simm.s32 @!p0 $0x0  }
0x12: {  	s1 =	sld [smem:$0x3F9D];
	s0 =	simm.s32 @p0 $0x1  }
0x13: {  	[smem:$0x3FB8] =	sst s0;
	s0 =	simm.s32 @!p1 $0x0  }
0x14: {  	s2 =	sld [smem:$0x3F9C];
	s0 =	simm.s32 @p1 $0x1  }
0x15: {  	[smem:$0x3FB9] =	sst s0;
	s0 =	simm.s32 @!p2 $0x0  }
0x16: {  	s3 =	sld [smem:$0x3FDB];
	s0 =	simm.s32 @p2 $0x1  }
0x17: {  	s4 =	simm.s32 $0x1BF5;
	[smem:$0x3FBB] =	sst s0  }
0x18: {  	s0 =	sld [smem:$0x3F9E];
	_ =	swait.ge [sflag:s4], $0x0  }
0x19: {  	s7 =	sld [smem:$0x3F9F]  }
0x1a: {  	s8 =	sadd.s32 $0xFFFFE003, lr  }
0x1b: {  	s9 =	sadd.s32 $0xFFFFFEF7, lr;
	s5 =	simm.s32 $0xFFFFFFFF;
	p2 =	slt.u32 s8, $0xFFFFF086  }
0x1c: {  	p1 =	slt.u32 s9, $0xF7A;
	s5 =	simm.s32 @!p2 $0x0  }
0x1d: {  	s5 =	simm.s32 @p1 $0x1;
	p0 =	seq.s32 s7, s2  }
0x1e: {  	s7 =	smul.u32 @!p0 $0xF7A, s2;
	p2 =	seq.s32 @!p0 s5, $0x0  }
0x1f: {  	s9 =	smul.u32 $0xF7A, s1;
	s8 =	simm.s32 @!p0 $0x1BF5;
	p2 =	por !p2, p0  }
0x20: {  	[sflag:s8] =	ssyncset.s32 @!p0 $0xFFFFF086;
	s6 =	sadd.s32 @!p0 s3, s7;
	s7 =	simm.s32 @!p0 $0x108  }
0x21: {  	s3 =	sadd.s32 s3, s9;
	s6 =	sadd.s32 @!p0 $0x88, s6;
	s7 =	simm.s32 @p2 $0x1082  }
0x22: {  	[simem:s7], [sflag:s8] =	dma.local @!p0 [hbm:s6], $0xF7A  }
0x23: {  	s9 =	sor.u32 $0xD0000000, s2;
	s6 =	simm.s32 $0x108;
	_ =	swait.ge @!p0 [sflag:s8], $0x0  }
0x24: {  	s3 =	sadd.s32 $0x88, s3;
	s6 =	simm.s32 @!p1 $0x1082;
	[sflag:s4] =	ssyncset.s32 $0xFFFFF086  }
0x25: {  	[simem:s6], [sflag:s4] =	dma.local [hbm:s3], $0xF7A  }
0x26: {  	[smem:$0x3F9F] =	sst s1;
	(tag) =	ssettag s2;
	_ =	strace s9  }
0x27: {  	s1 =	sld [smem:$0x3FAF]  }
0x28: {  	s2 =	sld [smem:$0x3FB0]  }
0x29: {  	s4 =	sld [smem:$0x3FB2]  }
0x2a: {  	p0 =	seq.s32 s5, $0x0;
	s5 =	sld [smem:$0x3FB3]  }
0x2b: {  	s6 =	sld [smem:$0x3FB4]  }
0x2c: {  	s7 =	sld [smem:$0x3FB5]  }
0x2d: {  	s3 =	simm.s32 $0x108;
	s8 =	sld [smem:$0x3FB6]  }
0x2e: {  	s3 =	simm.s32 @!p0 $0x1082;
	s9 =	sld [smem:$0x3FB7]  }
0x2f: {  	lr =	sadd.s32 s0, s3;
	s0 =	sld [smem:$0x3FAE]  }
0x30: {  	s3 =	sld [smem:$0x3FB1]  }
0x31: {  	[smem:$0x3FBA] =	sst s10  }
0x32: {  	s10 =	sld [smem:$0x3FB8];
	_ =	sdelay $0x3  }
0x33: {  	p0 =	seq.s32 s10, $0x1;
	s10 =	sld [smem:$0x3FBA];
	_ =	sdelay $0x3  }
0x34: {  	[smem:$0x3FBA] =	sst s10  }
0x35: {  	s10 =	sld [smem:$0x3FB9];
	_ =	sdelay $0x3  }
0x36: {  	p1 =	seq.s32 s10, $0x1;
	s10 =	sld [smem:$0x3FBA];
	_ =	sdelay $0x3  }
0x37: {  	[smem:$0x3FBA] =	sst s10  }
0x38: {  	s10 =	sld [smem:$0x3FBB]  }
0x39: {  	_ = 	snop;
	(pc) =	sbr.ind lr, $3  }
0x3a: {  	_ = 	snop  }
0x3b: {  	_ = 	snop  }
0x3c: {  	p2 =	seq.s32 s10, $0x1;
	s10 =	sld [smem:$0x3FBA]  }
0x3d: {  	_ =	shalt  }
0x3e: {  	_ =	shalt  }
0x3f: {  	_ =	shalt  }
0x40: {  	_ =	shalt  }
0x41: {  	_ =	shalt  }
0x42: {  	_ =	shalt  }
0x43: {  	_ =	shalt  }
0x44: {  	_ =	shalt  }
0x45: {  	_ =	shalt  }
0x46: {  	_ =	shalt  }
0x47: {  	_ =	shalt  }
0x48: {  	_ =	shalt  }
0x49: {  	_ =	shalt  }
0x4a: {  	_ =	shalt  }
0x4b: {  	_ =	shalt  }
0x4c: {  	_ =	shalt  }
0x4d: {  	_ =	shalt  }
0x4e: {  	_ =	shalt  }
0x4f: {  	_ =	shalt  }
0x50: {  	_ =	shalt  }
0x51: {  	_ =	shalt  }
0x52: {  	_ =	shalt  }
0x53: {  	_ =	shalt  }
0x54: {  	_ =	shalt  }
0x55: {  	_ =	shalt  }
0x56: {  	_ =	shalt  }
0x57: {  	_ =	shalt  }
0x58: {  	_ =	shalt  }
0x59: {  	_ =	shalt  }
0x5a: {  	_ =	shalt  }
0x5b: {  	_ =	shalt  }
0x5c: {  	_ =	shalt  }
0x5d: {  	_ =	shalt  }
0x5e: {  	_ =	shalt  }
0x5f: {  	_ =	shalt  }
0x60: {  	_ =	shalt  }
0x61: {  	_ =	shalt  }
0x62: {  	_ =	shalt  }
0x63: {  	_ =	shalt  }
0x64: {  	_ =	shalt  }
0x65: {  	_ =	shalt  }
0x66: {  	_ =	shalt  }
0x67: {  	_ =	shalt  }
0x68: {  	_ =	shalt  }
0x69: {  	_ =	shalt  }
0x6a: {  	_ =	shalt  }
0x6b: {  	_ =	shalt  }
0x6c: {  	_ =	shalt  }
0x6d: {  	_ =	shalt  }
0x6e: {  	_ =	shalt  }
0x6f: {  	_ =	shalt  }
0x70: {  	_ =	shalt  }
0x71: {  	_ =	shalt  }
0x72: {  	_ =	shalt  }
0x73: {  	_ =	shalt  }
0x74: {  	_ =	shalt  }
0x75: {  	_ =	shalt  }
0x76: {  	_ =	shalt  }
0x77: {  	_ =	shalt  }
0x78: {  	_ =	shalt  }
0x79: {  	_ =	shalt  }
0x7a: {  	_ =	shalt  }
0x7b: {  	_ =	shalt  }
0x7c: {  	_ =	shalt  }
0x7d: {  	_ =	shalt  }
0x7e: {  	_ =	shalt  }
0x7f: {  	_ =	shalt  }
0x80: {  	_ =	shalt  }
0x81: {  	_ =	shalt  }
0x82: {  	_ =	shalt  }
0x83: {  	_ =	shalt  }
0x84: {  	_ =	shalt  }
0x85: {  	_ =	shalt  }
0x86: {  	_ =	shalt  }
0x87: {  	_ =	shalt  }
.Lfunc_end0:
.L_simem_size_0:
called_computation_lowered:
.L_overlay_start_0:
0x88: {  	s2 =	sld [smem:$0x3FD9]  }
0x89: {  	s3 =	sld [smem:$0x3FFE];
	_ =	sdelay $0x1  }
0x8a: {  	s1 =	srdreg.scid  }
0x8b: {  	s0 =	sand.u32 $0x1, s1  }
0x8c: {  	s18 =	sshll.u32 s0, $0xA;
	s2 =	sadd.s32 s3, s2  }
0x8d: {  	s2 =	sadd.s32 s2, s18  }
0x8e: {  	[smem:$0x3FC6] =	sst s2  }
0x8f: {  	_ = 	snop  }
0x90: {  	s2 =	sld [smem:$0x3FC9]  }
0x91: {  	s19 =	sld [smem:$0x3FC8]  }
0x92: {  	s4 =	sld [smem:$0x3FD0];
	(tm) =	ssettm $0x1  }
0x93: {  	s5 =	sld [smem:$0x3FFB];
	_ =	sdelay $0x3  }
0x94: {  	_ =	strace s5  }
0x95: {  	s5 =	sld [smem:$0x3FFC];
	_ =	sdelay $0x3  }
0x96: {  	_ =	strace s5  }
0x97: {  	s5 =	sld [smem:$0x3FFD];
	_ =	sdelay $0x3  }
0x98: {  	_ =	strace s5  }
0x99: {  	_ =	strace $0x8FFFFFFF  }
0x9a: {  	s20 =	sld [smem:$0x3FDB];
	_ =	sdelay $0x1  }
0x9b: {  	s6 =	simm.s32 $_scs_section_size  }
0x9c: {  	s7 =	simm.s32 $_size__tile_overlayer_lowered;
	s8 =	simm.s32 $_tile_overlayer_lowered  }
0x9d: {  	s23 =	simm.s32 $0x1BFF;
	s22 =	sshll.u32 s8, $0x1;
	s5 =	sadd.s32 s6, s20  }
0x9e: {  	s9 =	simm.s32 $0x0;
	s21 =	sshll.u32 s7, $0x1;
	s7 =	sadd.s32 s22, s5  }
0x9f: {  	[timem:s9], [sflag:s23] =	dma.local [hbm:s7], s21  }
0xa0: {  	_ =	swait.ge [sflag:s23], s21  }
0xa1: {  	s6 =	ssub.s32 $0x0, s21;
	[sflag:s23] =	ssyncset.done $0x0  }
0xa2: {  	[sflag:s23] =	ssyncadd.s32 s6;
	_ =	sdelay $0x1  }
0xa3: {  	s24 =	simm.s32 $0x1B8B  }
0xa4: {  	_ =	swait.ge [sflag:s24], $0x1  }
0xa5: {  	[sflag:s24] =	ssyncset.done $0x0  }
0xa6: {  	s25 =	simm.s32 $0x1B8E;
	[sflag:s24] =	ssyncadd.s32 $0xFFFFFFFF  }
0xa7: {  	s26 =	simm.s32 $execute0_lowered;
	[smem:$0x3FD2] =	sst s25  }
0xa8: {  	s6 =	sshll.u32 s26, $0x1;
	_ =	strace $0x80000046;
	[dreg:$0x1] =	wrdreg $0xFFFFFFFF  }
0xa9: {  	s28 =	simm.s32 $_size_execute0_lowered;
	s5 =	sadd.s32 s5, s6;
	[dreg:$0x0] =	wrdreg $0x0  }
0xaa: {  	s6 =	sshll.u32 s28, $0x1;
	[dreg:$0x2] =	wrdreg s5  }
0xab: {  	[dreg:$0x3] =	wrdreg s6  }
0xac: {  	[dreg:$0x4] =	wrdreg $0xC0  }
0xad: {  	_ =	task [dreg:s9], $0x5FFFF  }
0xae: {  	[dreg:$0x1] =	wrdreg $0xFFFFFFFF  }
0xaf: {  	[dreg:$0x0] =	wrdreg $0x60  }
0xb0: {  	[dreg:$0x2] =	wrdreg s2  }
0xb1: {  	[dreg:$0x3] =	wrdreg s19  }
0xb2: {  	[dreg:$0x4] =	wrdreg s4  }
0xb3: {  	[dreg:$0x5] =	wrdreg $0x9  }
0xb4: {  	_ =	task.clear_ibuf [dreg:s9], $0x6FFFF;
	_ =	strace $0x90000046  }
0xb5: {  	s29 =	simm.s32 $0x9;
	_ =	strace $0x80000048  }
0xb6: {  	_ =	swait.ge [sflag:s29], $0x1  }
0xb7: {  	[sflag:s29] =	ssyncadd.s32 $0xFFFFFFFF  }
0xb8: {  	_ =	strace $0x90000048  }
0xb9: {  	_ =	sfence  }
0xba: {  	s30 =	sld [smem:$0x0];
	_ =	sdelay $0x2  }
0xbb: {  	s31 =	sshll.u32 s1, $0xD;
	s1 =	sshrl.u32 s1, $0x2  }
0xbc: {  	s3 =	sand.u32 $0x4000, s31;
	s1 =	sadd.s32 s1, s30  }
0xbd: {  	s0 =	sor.u32 s3, s0;
	s1 =	sshll.u32 s1, $0x11  }
0xbe: {  	s0 =	sor.u32 s1, s0  }
0xbf: {  	s0 =	sadd.s32 $0x8F2B, s0  }
0xc0: {  	[sflag:s0] =	ssyncadd.remote.s32 $0x1  }
0xc1: {  	_ =	sfence.sel $0xFFFF  }
0xc2: {  	[dreg:$0x0] =	wrdreg $0xFFFFFFFF;
	(pc) =	sbr.abs _section_cstart, $3  }
0xc3: {  	[dreg:$0x1] =	wrdreg $0xFFFFFFFF  }
0xc4: {  	_ =	task.clear_ibuf [dreg:s9], $0x2FFFF;
	_ =	strace $0x9FFFFFFF  }
0xc5: {  	(tm) =	ssettm $0x7FFFFFFF  }
tec
execute0_lowered:
.L_overlay_start_1:
0x0: {  	(tag) =	ssettag $0x1  }
0x1: {  	s0 =	rddreg [dreg:$0x0]  }
0x2: {  	s1 =	srdreg.scid;
	s3 =	rddreg [dreg:$0x1]  }
0x3: {  	s6 =	rddreg [dreg:$0x2];
	s2 =	stileid.u32;
	s13 =	simm.s32 $0x80  }
0x4: {  	s14 =	simm.s32 $0x1080;
	s15 =	simm.s32 $0x2080;
	s17 =	simm.s32 $0x880  }
0x5: {  	s18 =	simm.s32 $0x1880;
	s19 =	simm.s32 $0x2880;
	s20 =	simm.s32 $0x3880  }
0x6: {  	s21 =	simm.s32 $0x1;
	s5 =	sand.u32 $0x1, s1;
	s1 =	rddreg [dreg:$0x3]  }
0x7: {  	s10 =	sadd.s32 $0x100, s3;
	s11 =	sadd.s32 $0x200, s3;
	s4 =	sshll.u32 s5, $0x4  }
0x8: {  	s12 =	sadd.s32 $0x300, s3;
	s7 =	ssub.s32 $0x2, s5;
	s16 =	sor.u32 s2, s4  }
0x9: {  	s4 =	simm.s32 $0x0;
	s8 =	sshrl.u32 s7, $0x1;
	s31 =	sshll.u32 s16, $0xB  }
0xa: {  	v3 =	vlaneseq.u32;
	[smem:$0x7FF] =	sst s4;
	s9 =	ssub.s32 s7, s8;
	v0 =	vmov s16;
	s16 =	simm.s32 $0x3080  }
0xb: {  	vm0 =	vmmov $0xffff;
	v2 =	vshrl.u32 v3, $0x3;
	s5 =	sadd.s32 s6, s31;
	_ =	strace $0x80000047;
	s9 =	smax.u32 s9, $0x1  }
0xc: {  	v1 =	vand.u32 $0x7, v3;
	v3 =	vor.u32 $0x8, v3;
	v2 =	vmul.u32 $0x8, v2;
	s6 =	sadd.s32 $0x10000, s5;
	s7 =	sadd.s32 $0x20000, s5;
	s8 =	sadd.s32 $0x30000, s5  }
.LBB2_1:
0xd: {  	[tilespmem:$0x0] =	vst v0  }
0xe: {  	[tilespmem:$0x10] =	vst v0  }
0xf: {  	[tilespmem:s13], [sflag:$0x1] =	stream.linear.gather [hbm4b:s3+s4], $0x800, $0x38;
	[tilespmem:$0x4080] =	vst v63  }
0x10: {  	_ = 	snop  }
0x11: {  	[tilespmem:s14], [sflag:$0x1] =	stream.linear.gather [hbm4b:s10+s4], $0x800, $0x38;
	[tilespmem:$0x4080] =	vst v63  }
0x12: {  	_ = 	snop  }
0x13: {  	[tilespmem:s15], [sflag:$0x1] =	stream.linear.gather [hbm4b:s11+s4], $0x800, $0x38;
	[tilespmem:$0x4080] =	vst v63  }
0x14: {  	_ = 	snop  }
0x15: {  	[tilespmem:s16], [sflag:$0x1] =	stream.linear.gather [hbm4b:s12+s4], $0x800, $0x38;
	[tilespmem:$0x4080] =	vst v63  }
0x16: {  	v4 =	vld [tilespmem:$0x0];
	_ =	sdelay $0x4  }
0x17: {  	v5 =	vshll.u32 v4, $0x1  }
0x18: {  	v4 =	vand.u32 $0x7, v4;
	v5 =	vand.u32 $0xFFFFFFF0, v5  }
0x19: {  	v4 =	vor.u32 v4, v5  }
0x1a: {  	v5 =	vperm.xlane v4, v1;
	_ =	sdelay $0x1  }
0x1b: {  	v4 =	vperm.xlane v4, v3;
	v5 =	vadd.s32 v2, v5;
	_ =	sdelay $0x1  }
0x1c: {  	v4 =	vadd.s32 v2, v4;
	_ =	sdelay $0x2  }
0x1d: {  	[tilespmem:s17], [sflag:$0x1] =	stream.indirect_vreg.gather [hbm4b:s0+s4], $0x80, v5, vm0, $0xb8;
	[tilespmem:$0x4080] =	vst v63  }
0x1e: {  	_ = 	snop  }
0x1f: {  	[tilespmem:s18], [sflag:$0x1] =	stream.indirect_vreg.gather [hbm4b:s0+s4], $0x80, v4, vm0, $0xb8;
	[tilespmem:$0x4080] =	vst v63  }
0x20: {  	v4 =	vld [tilespmem:$0x10];
	_ =	sdelay $0x4  }
0x21: {  	v5 =	vshll.u32 v4, $0x1  }
0x22: {  	v4 =	vand.u32 $0x7, v4;
	v5 =	vand.u32 $0xFFFFFFF0, v5  }
0x23: {  	v4 =	vor.u32 v4, v5  }
0x24: {  	v5 =	vperm.xlane v4, v1;
	_ =	sdelay $0x1  }
0x25: {  	v4 =	vperm.xlane v4, v3;
	v5 =	vadd.s32 v2, v5;
	_ =	sdelay $0x1  }
0x26: {  	v4 =	vadd.s32 v2, v4;
	_ =	sdelay $0x2  }
0x27: {  	[tilespmem:s19], [sflag:$0x1] =	stream.indirect_vreg.gather [hbm4b:s0+s4], $0x80, v5, vm0, $0xb8;
	[tilespmem:$0x4080] =	vst v63  }
0x28: {  	_ = 	snop  }
0x29: {  	[tilespmem:s20], [sflag:$0x1] =	stream.indirect_vreg.gather [hbm4b:s0+s4], $0x80, v4, vm0, $0xb8;
	[tilespmem:$0x4080] =	vst v63  }
0x2a: {  	_ =	swait.ge [sflag:s21], $0x2000  }
0x2b: {  	[sflag:s21] =	ssyncset.done $0x0  }
0x2c: {  	[sflag:s21] =	ssyncadd.s32 $0xFFFFE000  }
0x2d: {  	_ =	swait.ge [sflag:s21], $0x2000  }
0x2e: {  	[sflag:s21] =	ssyncset.done $0x0  }
0x2f: {  	[sflag:s21] =	ssyncadd.s32 $0xFFFFE000  }
0x30: {  	[hbm4b:s5+s4] =	stream.linear.scatter [tilespmem:s13], [sflag:$0x1], $0x4000, $0x38;
	[tilespmem:$0x4080] =	vst v63  }
0x31: {  	_ = 	snop  }
0x32: {  	[hbm4b:s6+s4] =	stream.linear.scatter [tilespmem:s13], [sflag:$0x1], $0x4000, $0x38;
	[tilespmem:$0x4080] =	vst v63  }
0x33: {  	_ = 	snop  }
0x34: {  	[hbm4b:s7+s4] =	stream.linear.scatter [tilespmem:s13], [sflag:$0x1], $0x4000, $0x38;
	[tilespmem:$0x4080] =	vst v63  }
0x35: {  	_ = 	snop  }
0x36: {  	[hbm4b:s8+s4] =	stream.linear.scatter [tilespmem:s13], [sflag:$0x1], $0x4000, $0x38;
	[tilespmem:$0x4080] =	vst v63  }
0x37: {  	_ =	swait.ge [sflag:s21], $0x4000  }
0x38: {  	[sflag:s21] =	ssyncset.done $0x0  }
0x39: {  	[sflag:s21] =	ssyncadd.s32 $0xFFFFC000  }
0x3a: {  	_ =	swait.ge [sflag:s21], $0x4000  }
0x3b: {  	[sflag:s21] =	ssyncset.done $0x0  }
0x3c: {  	[sflag:s21] =	ssyncadd.s32 $0xFFFFC000  }
0x3d: {  	p0 =	sne.s32 s9, $0x1;
	_ =	swait.ge [sflag:s21], $0x4000  }
.Ltmp0:
0x3e: {  	[sflag:s21] =	ssyncset.done $0x0;
	(pc) =	sbr.rel @p0 .LBB2_1-.Ltmp0, $4  }
0x3f: {  	[sflag:s21] =	ssyncadd.s32 $0xFFFFC000  }
0x40: {  	_ =	swait.ge [sflag:s21], $0x4000  }
0x41: {  	[sflag:s21] =	ssyncset.done $0x0  }
0x42: {  	s9 =	sadd.s32 $0xFFFFFFFF, s9;
	[sflag:s21] =	ssyncadd.s32 $0xFFFFC000  }
0x43: {  	_ =	sfence.sel $0x180000  }
0x44: {  	[bflag:$0x0] =	sbarrier.arrive $0xFFFF  }
0x45: {  	p0 =	sne.s32 s2, $0x0;
	_ =	strace $0x90000047  }
0x46: {  	s0 =	sadd.s32 @!p0 $0x100000, s1;
	[bflag:$0x2] =	sbarrier.arrive $0xFFFF  }
0x47: {  	[sflag:s0] =	ssyncadd.tile.s32 @!p0 $0x1;
	_ =	shalt  }
.Lfunc_end2:
_tile_overlayer_lowered:
.L_overlay_start_2:
0x48: {  	(tag) =	ssettag $0x2  }
0x49: {  	s0 =	rddreg [dreg:$0x0];
	s2 =	stileid.u32  }
0x4a: {  	s1 =	rddreg [dreg:$0x1];
	p0 =	sne.s32 s2, $0x0  }
0x4b: {  	s3 =	rddreg [dreg:$0x2];
	[bflag:$0x3] =	sbarrier.arrive $0xFFFF;
	s2 =	simm.s32 @!p0 $0x1C02  }
0x4c: {  	[timem:s3], [sflag:s2] =	dma.local @!p0 [hbm:s0], s1  }
0x4d: {  	s0 =	simm.s32 @!p0 $0x2  }
0x4e: {  	_ =	swait.ge @!p0 [sflag:s0], s1  }
0x4f: {  	s1 =	ssub.s32 @!p0 $0x0, s1;
	[sflag:s0] =	ssyncset.done @!p0 $0x0  }
0x50: {  	[sflag:s0] =	ssyncadd.s32 @!p0 s1  }
0x51: {  	[bflag:$0x3] =	sbarrier.arrive $0xFFFF  }
0x52: {  	_ =	shalt  }

</sc_bundles>
